<compile_context>
chip_gen: v7x
topology: tpu7x:2x2x1
jax: 0.10.2.dev20260603
libtpu: 0.0.44.dev20260713+nightly
codegen_flags: <defaults>
</compile_context>

<pallas_src>
import functools

import jax
import jax.numpy as jnp
from jax import lax
from jax.experimental import pallas as pl
from jax.experimental.pallas import tpu as pltpu
from jax.experimental.pallas import tpu_sc as plsc

_NC, _NS = 2, 16
_NW = _NC * _NS
_D = 64
_CHUNK = 512


def _tc_pack(table):
    v = table.shape[0]
    blk = 1024
    nb = (v + 2 * blk - 1) // (2 * blk)
    x = nb * blk

    def body(x_ref, o_ref):
        o_ref[:, :_D] = x_ref[:blk, :]
        o_ref[:, _D:] = x_ref[blk:, :]

    return pl.pallas_call(
        body,
        grid=(nb,),
        in_specs=[pl.BlockSpec((2 * blk, _D), lambda i: (i, 0))],
        out_specs=pl.BlockSpec((blk, 2 * _D), lambda i: (i, 0)),
        out_shape=jax.ShapeDtypeStruct((x, 2 * _D), jnp.float32),
    )(table)


def _sc_gather_packed(table, flat_idx):
    n = flat_idx.shape[0]
    n2 = n // 2
    b_per_w = n // _NW
    n_chunks = b_per_w // _CHUNK
    mesh = plsc.VectorSubcoreMesh(core_axis_name="c", subcore_axis_name="s")

    @functools.partial(
        pl.kernel,
        mesh=mesh,
        compiler_params=pltpu.CompilerParams(use_tc_tiling_on_sc=False),
        out_type=jax.ShapeDtypeStruct((n2, 2 * _D), jnp.float32),
        scratch_types=[
            pltpu.VMEM((_CHUNK,), jnp.int32),
            pltpu.VMEM((_CHUNK,), jnp.int32),
            pltpu.VMEM((_CHUNK, _D), jnp.float32),
            pltpu.VMEM((_CHUNK, _D), jnp.float32),
            pltpu.SemaphoreType.DMA,
            pltpu.SemaphoreType.DMA,
            pltpu.SemaphoreType.DMA,
            pltpu.SemaphoreType.DMA,
        ],
    )
    def k(table_hbm, idx_hbm, out_hbm, idx_a, idx_b, rows_a, rows_b,
          sga, sgb, soa, sob):
        wid = lax.axis_index("s") * _NC + lax.axis_index("c")
        base = wid * b_per_w
        half = wid // (_NW // 2)
        col = half * _D
        rbase = base - half * n2

        def body(c2, carry):
            ca = 2 * c2
            offa = base + ca * _CHUNK
            roffa = rbase + ca * _CHUNK
            pltpu.sync_copy(idx_hbm.at[pl.ds(offa, _CHUNK)], idx_a)
            ga = pltpu.async_copy(table_hbm.at[idx_a], rows_a, sga)
            pltpu.sync_copy(idx_hbm.at[pl.ds(offa + _CHUNK, _CHUNK)], idx_b)
            gb = pltpu.async_copy(table_hbm.at[idx_b], rows_b, sgb)
            ga.wait()
            sa = pltpu.async_copy(
                rows_a,
                out_hbm.at[pl.ds(roffa, _CHUNK), pl.ds(col, _D)],
                soa,
            )
            gb.wait()
            sb = pltpu.async_copy(
                rows_b,
                out_hbm.at[pl.ds(roffa + _CHUNK, _CHUNK), pl.ds(col, _D)],
                sob,
            )
            sa.wait()
            sb.wait()
            return carry

        lax.fori_loop(0, n_chunks // 2, body, 0)

    return k(table, flat_idx)


def _tc_project(e2, W, b2):
    n2 = e2.shape[0]
    rows = 2048
    out_dim = W.shape[0]

    def body(e_ref, w_ref, b_ref, o_ref):
        x = e_ref[...]
        g = 0.5 * x * (1.0 + lax.erf(x * 0.7071067811865476))
        w = w_ref[...]
        bb = b_ref[...]
        o_ref[0] = (
            lax.dot_general(
                g[:, :_D], w, (((1,), (1,)), ((), ())),
                preferred_element_type=jnp.float32,
            )
            + bb
        )
        o_ref[1] = (
            lax.dot_general(
                g[:, _D:], w, (((1,), (1,)), ((), ())),
                preferred_element_type=jnp.float32,
            )
            + bb
        )

    return pl.pallas_call(
        body,
        grid=(n2 // rows,),
        in_specs=[
            pl.BlockSpec((rows, 2 * _D), lambda i: (i, 0)),
            pl.BlockSpec((out_dim, _D), lambda i: (0, 0)),
            pl.BlockSpec((1, out_dim), lambda i: (0, 0)),
        ],
        out_specs=pl.BlockSpec((2, rows, out_dim), lambda i: (0, i, 0)),
        out_shape=jax.ShapeDtypeStruct((2, n2, out_dim), jnp.float32),
    )(e2, W, b2)


def kernel(times, table, W, b):
    B, L = times.shape
    t = times.reshape(-1).astype(jnp.int32)
    packed = _tc_pack(table)
    blk = 1024
    flat_idx = 2 * ((t // (2 * blk)) * blk + t % blk) + (t // blk) % 2
    table_lin = packed.reshape(packed.shape[0] * 2, _D)
    e2 = _sc_gather_packed(table_lin, flat_idx)
    out3 = _tc_project(e2, W, b.reshape(1, -1))
    return out3.reshape(B, L, W.shape[0])

# --- scband reference (transcript-rebuilt; emitter-appended) ---
"""Pipeline reference for scband-time-embedding-25658134626646 (READ-ONLY COPY).

The authoritative reference and input builder live on the scoring server;
editing this copy changes nothing except your own understanding.
"""

import jax, jax.numpy as jnp
import numpy as np

MAX_TIME = 1000000
EMBED_DIM = 64
OUT_DIM = 128
B, L = 4096, 200

def setup_inputs(seed: int = 0) -> dict:
    key = jax.random.key(seed)
    k1, k2, k3, k4 = jax.random.split(key, 4)
    times = jax.random.randint(k1, (B, L), 0, MAX_TIME + 1, dtype=jnp.int64 if jax.config.jax_enable_x64 else jnp.int32)
    table = jax.random.normal(k2, (MAX_TIME + 1, EMBED_DIM), dtype=jnp.float32)
    W = jax.random.normal(k3, (OUT_DIM, EMBED_DIM), dtype=jnp.float32) * (1.0 / np.sqrt(EMBED_DIM))
    b = jax.random.normal(k4, (OUT_DIM,), dtype=jnp.float32) * 0.01
    return {"times": times, "table": table, "W": W, "b": b}

def reference(times, table, W, b):
    # nn.Embedding: gather rows of the table
    e = jnp.take(table, times, axis=0)            # [B, L, EMBED_DIM]
    # nn.GELU() default in torch is exact (erf-based)
    h = jax.nn.gelu(e, approximate=False)
    # nn.Linear: x @ W.T + b
    out = jnp.einsum('bld,od->blo', h, W) + b     # [B, L, OUT_DIM]
    return out

if __name__ == "__main__":
    import jax
    _d = setup_inputs()
    print(jax.jit(kernel)(*tuple(_d.values())))

</pallas_src>

<mosaic_0001>
#map = affine_map<(d0, d1) -> (0, 0)>
#map1 = affine_map<(d0, d1) -> (0)>
module attributes {stable_mosaic.version = 14 : i64} {
  func.func @k(%arg0: i32, %arg1: i32, %arg2: memref<1001472x64xf32, #tpu.memory_space<hbm>>, %arg3: memref<819200xi32, #tpu.memory_space<hbm>>, %arg4: memref<409600x128xf32, #tpu.memory_space<hbm>>, %arg5: memref<512xi32, #tpu.memory_space<vmem>>, %arg6: memref<512xi32, #tpu.memory_space<vmem>>, %arg7: memref<512x64xf32, #tpu.memory_space<vmem>>, %arg8: memref<512x64xf32, #tpu.memory_space<vmem>>, %arg9: memref<!tpu.dma_semaphore, #tpu.memory_space<semaphore_mem>>, %arg10: memref<!tpu.dma_semaphore, #tpu.memory_space<semaphore_mem>>, %arg11: memref<!tpu.dma_semaphore, #tpu.memory_space<semaphore_mem>>, %arg12: memref<!tpu.dma_semaphore, #tpu.memory_space<semaphore_mem>>) attributes {dimension_semantics = [#tpu.dimension_semantics<core_parallel>, #tpu.dimension_semantics<subcore_parallel>], iteration_bounds = array<i64: 2, 16>, scalar_prefetch = 0 : i64, scratch_operands = 8 : i64, tpu.core_type = #tpu.core_type<sc_vector_subcore>, window_params = [{transform_indices = #map}, {transform_indices = #map1}, {transform_indices = #map}]} {
    %mul3A = arith.constant 2 : i32
    %mul3A_0 = arith.muli %arg1, %mul3A : i32
    %add3A = arith.addi %mul3A_0, %arg0 : i32
    %mul3A_1 = arith.constant 25600 : i32
    %mul3A_2 = arith.muli %add3A, %mul3A_1 : i32
    %jit3A = arith.constant 16 : i32
    %div3A = arith.divsi %add3A, %jit3A : i32
    %sign3A = arith.constant 0 : i32
    %sign3A_3 = arith.cmpi sgt, %add3A, %sign3A : i32
    %sign3A_4 = arith.extui %sign3A_3 : i1 to i32
    %sign3A_5 = arith.constant 0 : i32
    %sign3A_6 = arith.cmpi slt, %add3A, %sign3A_5 : i32
    %sign3A_7 = arith.extui %sign3A_6 : i1 to i32
    %sign3A_8 = arith.subi %sign3A_4, %sign3A_7 : i32
    %sign3A_9 = arith.constant 0 : i32
    %sign3A_10 = arith.cmpi sgt, %jit3A, %sign3A_9 : i32
    %sign3A_11 = arith.extui %sign3A_10 : i1 to i32
    %sign3A_12 = arith.constant 0 : i32
    %sign3A_13 = arith.cmpi slt, %jit3A, %sign3A_12 : i32
    %sign3A_14 = arith.extui %sign3A_13 : i1 to i32
    %sign3A_15 = arith.subi %sign3A_11, %sign3A_14 : i32
    %ne3A = arith.cmpi ne, %sign3A_8, %sign3A_15 : i32
    %rem3A = arith.remsi %add3A, %jit3A : i32
    %ne3A_16 = arith.constant 0 : i32
    %ne3A_17 = arith.cmpi ne, %rem3A, %ne3A_16 : i32
    %and3A = arith.andi %ne3A, %ne3A_17 : i1
    %sub3A = arith.constant 1 : i32
    %sub3A_18 = arith.subi %div3A, %sub3A : i32
    %select_n3A = arith.select %and3A, %sub3A_18, %div3A : i32
    %mul3A_19 = arith.constant 64 : i32
    %mul3A_20 = arith.muli %select_n3A, %mul3A_19 : i32
    %mul3A_21 = arith.constant 409600 : i32
    %mul3A_22 = arith.muli %select_n3A, %mul3A_21 : i32
    %sub3A_23 = arith.subi %mul3A_2, %mul3A_22 : i32
    %scan3A = arith.constant 0 : i32
    %scan3A_24 = arith.constant 0 : i32
    %scan3A_25 = arith.constant 25 : i32
    %scan3A_26 = arith.addi %scan3A_24, %scan3A_25 : i32
    %scan3A_27 = arith.constant 1 : i32
    scf.for %scan3A_29 = %scan3A_24 to %scan3A_26 step %scan3A_27  : i32 {
      %mul3A_30 = arith.constant 2 : i32
      %mul3A_31 = arith.muli %mul3A_30, %scan3A_29 : i32
      %mul3A_32 = arith.constant 512 : i32
      %mul3A_33 = arith.muli %mul3A_31, %mul3A_32 : i32
      %add3A_34 = arith.addi %mul3A_2, %mul3A_33 : i32
      %mul3A_35 = arith.constant 512 : i32
      %mul3A_36 = arith.muli %mul3A_31, %mul3A_35 : i32
      %add3A_37 = arith.addi %sub3A_23, %mul3A_36 : i32
      "tpu.region"() ({
        %run_scoped3A = tpu.sem_alloc : memref<!tpu.dma_semaphore, #tpu.memory_space<semaphore_mem>>
        %dma_start3A_60 = tpu.memref_slice %arg3[%add3A_34] : memref<819200xi32, #tpu.memory_space<hbm>> -> memref<512xi32, #tpu.memory_space<hbm>>
        %dma_start3A_61 = tpu.memref_slice %arg3[%add3A_34] : memref<819200xi32, #tpu.memory_space<hbm>> -> memref<512xi32, #tpu.memory_space<hbm>>
        tpu.enqueue_dma source(%dma_start3A_61 : memref<512xi32, #tpu.memory_space<hbm>>) target(%arg5 : memref<512xi32, #tpu.memory_space<vmem>>) target_semaphore(%run_scoped3A : memref<!tpu.dma_semaphore, #tpu.memory_space<semaphore_mem>>)
        %dma_wait3A_62 = tpu.memref_slice %arg3[%add3A_34] : memref<819200xi32, #tpu.memory_space<hbm>> -> memref<512xi32, #tpu.memory_space<hbm>>
        %dma_wait3A_63 = tpu.memref_slice %arg3[%add3A_34] : memref<819200xi32, #tpu.memory_space<hbm>> -> memref<512xi32, #tpu.memory_space<hbm>>
        tpu.wait_dma2 semaphore(%run_scoped3A : memref<!tpu.dma_semaphore, #tpu.memory_space<semaphore_mem>>) src(%dma_wait3A_63 : memref<512xi32, #tpu.memory_space<hbm>>) dst(%arg5 : memref<512xi32, #tpu.memory_space<vmem>>)
        tpu.yield
      }) : () -> ()
      %dma_start3A = arith.constant 0 : i32
      %dma_start3A_38 = arith.constant 0 : i32
      %dma_start3A_39 = tpu.memref_slice %arg2[%dma_start3A, %dma_start3A_38] : memref<1001472x64xf32, #tpu.memory_space<hbm>> -> memref<1001472x64xf32, #tpu.memory_space<hbm>>
      tpu.enqueue_indirect_dma source(%dma_start3A_39 : memref<1001472x64xf32, #tpu.memory_space<hbm>>) target(%arg7 : memref<512x64xf32, #tpu.memory_space<vmem>>) offsets(%arg5 : memref<512xi32, #tpu.memory_space<vmem>>) semaphore(%arg9 : memref<!tpu.dma_semaphore, #tpu.memory_space<semaphore_mem>>)
      %add3A_40 = arith.constant 512 : i32
      %add3A_41 = arith.addi %add3A_34, %add3A_40 : i32
      "tpu.region"() ({
        %run_scoped3A = tpu.sem_alloc : memref<!tpu.dma_semaphore, #tpu.memory_space<semaphore_mem>>
        %dma_start3A_60 = tpu.memref_slice %arg3[%add3A_41] : memref<819200xi32, #tpu.memory_space<hbm>> -> memref<512xi32, #tpu.memory_space<hbm>>
        %dma_start3A_61 = tpu.memref_slice %arg3[%add3A_41] : memref<819200xi32, #tpu.memory_space<hbm>> -> memref<512xi32, #tpu.memory_space<hbm>>
        tpu.enqueue_dma source(%dma_start3A_61 : memref<512xi32, #tpu.memory_space<hbm>>) target(%arg6 : memref<512xi32, #tpu.memory_space<vmem>>) target_semaphore(%run_scoped3A : memref<!tpu.dma_semaphore, #tpu.memory_space<semaphore_mem>>)
        %dma_wait3A_62 = tpu.memref_slice %arg3[%add3A_41] : memref<819200xi32, #tpu.memory_space<hbm>> -> memref<512xi32, #tpu.memory_space<hbm>>
        %dma_wait3A_63 = tpu.memref_slice %arg3[%add3A_41] : memref<819200xi32, #tpu.memory_space<hbm>> -> memref<512xi32, #tpu.memory_space<hbm>>
        tpu.wait_dma2 semaphore(%run_scoped3A : memref<!tpu.dma_semaphore, #tpu.memory_space<semaphore_mem>>) src(%dma_wait3A_63 : memref<512xi32, #tpu.memory_space<hbm>>) dst(%arg6 : memref<512xi32, #tpu.memory_space<vmem>>)
        tpu.yield
      }) : () -> ()
      %dma_start3A_42 = arith.constant 0 : i32
      %dma_start3A_43 = arith.constant 0 : i32
      %dma_start3A_44 = tpu.memref_slice %arg2[%dma_start3A_42, %dma_start3A_43] : memref<1001472x64xf32, #tpu.memory_space<hbm>> -> memref<1001472x64xf32, #tpu.memory_space<hbm>>
      tpu.enqueue_indirect_dma source(%dma_start3A_44 : memref<1001472x64xf32, #tpu.memory_space<hbm>>) target(%arg8 : memref<512x64xf32, #tpu.memory_space<vmem>>) offsets(%arg6 : memref<512xi32, #tpu.memory_space<vmem>>) semaphore(%arg10 : memref<!tpu.dma_semaphore, #tpu.memory_space<semaphore_mem>>)
      %dma_wait3A = arith.constant 0 : i32
      %dma_wait3A_45 = arith.constant 0 : i32
      %dma_wait3A_46 = tpu.memref_slice %arg2[%dma_wait3A, %dma_wait3A_45] : memref<1001472x64xf32, #tpu.memory_space<hbm>> -> memref<1001472x64xf32, #tpu.memory_space<hbm>>
      tpu.wait_indirect_dma semaphore(%arg9 : memref<!tpu.dma_semaphore, #tpu.memory_space<semaphore_mem>>) src(%dma_wait3A_46 : memref<1001472x64xf32, #tpu.memory_space<hbm>>) dst(%arg7 : memref<512x64xf32, #tpu.memory_space<vmem>>)
      %dma_start3A_47 = tpu.memref_slice %arg4[%add3A_37, %mul3A_20] : memref<409600x128xf32, #tpu.memory_space<hbm>> -> memref<512x64xf32, #tpu.memory_space<hbm>>
      %dma_start3A_48 = tpu.memref_slice %arg4[%add3A_37, %mul3A_20] : memref<409600x128xf32, #tpu.memory_space<hbm>> -> memref<512x64xf32, #tpu.memory_space<hbm>>
      tpu.enqueue_dma source(%arg7 : memref<512x64xf32, #tpu.memory_space<vmem>>) target(%dma_start3A_48 : memref<512x64xf32, #tpu.memory_space<hbm>>) target_semaphore(%arg11 : memref<!tpu.dma_semaphore, #tpu.memory_space<semaphore_mem>>)
      %dma_wait3A_49 = arith.constant 0 : i32
      %dma_wait3A_50 = arith.constant 0 : i32
      %dma_wait3A_51 = tpu.memref_slice %arg2[%dma_wait3A_49, %dma_wait3A_50] : memref<1001472x64xf32, #tpu.memory_space<hbm>> -> memref<1001472x64xf32, #tpu.memory_space<hbm>>
      tpu.wait_indirect_dma semaphore(%arg10 : memref<!tpu.dma_semaphore, #tpu.memory_space<semaphore_mem>>) src(%dma_wait3A_51 : memref<1001472x64xf32, #tpu.memory_space<hbm>>) dst(%arg8 : memref<512x64xf32, #tpu.memory_space<vmem>>)
      %add3A_52 = arith.constant 512 : i32
      %add3A_53 = arith.addi %add3A_37, %add3A_52 : i32
      %dma_start3A_54 = tpu.memref_slice %arg4[%add3A_53, %mul3A_20] : memref<409600x128xf32, #tpu.memory_space<hbm>> -> memref<512x64xf32, #tpu.memory_space<hbm>>
      %dma_start3A_55 = tpu.memref_slice %arg4[%add3A_53, %mul3A_20] : memref<409600x128xf32, #tpu.memory_space<hbm>> -> memref<512x64xf32, #tpu.memory_space<hbm>>
      tpu.enqueue_dma source(%arg8 : memref<512x64xf32, #tpu.memory_space<vmem>>) target(%dma_start3A_55 : memref<512x64xf32, #tpu.memory_space<hbm>>) target_semaphore(%arg12 : memref<!tpu.dma_semaphore, #tpu.memory_space<semaphore_mem>>)
      %dma_wait3A_56 = tpu.memref_slice %arg4[%add3A_37, %mul3A_20] : memref<409600x128xf32, #tpu.memory_space<hbm>> -> memref<512x64xf32, #tpu.memory_space<hbm>>
      %dma_wait3A_57 = tpu.memref_slice %arg4[%add3A_37, %mul3A_20] : memref<409600x128xf32, #tpu.memory_space<hbm>> -> memref<512x64xf32, #tpu.memory_space<hbm>>
      tpu.wait_dma2 semaphore(%arg11 : memref<!tpu.dma_semaphore, #tpu.memory_space<semaphore_mem>>) src(%arg7 : memref<512x64xf32, #tpu.memory_space<vmem>>) dst(%dma_wait3A_57 : memref<512x64xf32, #tpu.memory_space<hbm>>)
      %dma_wait3A_58 = tpu.memref_slice %arg4[%add3A_53, %mul3A_20] : memref<409600x128xf32, #tpu.memory_space<hbm>> -> memref<512x64xf32, #tpu.memory_space<hbm>>
      %dma_wait3A_59 = tpu.memref_slice %arg4[%add3A_53, %mul3A_20] : memref<409600x128xf32, #tpu.memory_space<hbm>> -> memref<512x64xf32, #tpu.memory_space<hbm>>
      tpu.wait_dma2 semaphore(%arg12 : memref<!tpu.dma_semaphore, #tpu.memory_space<semaphore_mem>>) src(%arg8 : memref<512x64xf32, #tpu.memory_space<vmem>>) dst(%dma_wait3A_59 : memref<512x64xf32, #tpu.memory_space<hbm>>)
    }
    %scan3A_28 = arith.constant 25 : i32
    return
  }
}

module attributes {stable_mosaic.version = 14 : i64} {
  func.func @body(%arg0: i32, %arg1: memref<2048x64xf32, #tpu.memory_space<vmem>>, %arg2: memref<1024x128xf32, #tpu.memory_space<vmem>>) attributes {dimension_semantics = [#tpu.dimension_semantics<arbitrary>], iteration_bounds = array<i64: 489>, scalar_prefetch = 0 : i64, scratch_operands = 0 : i64, tpu.core_type = #tpu.core_type<tc>, window_params = [{transform_indices = @transform_0, window_bounds = array<i64: 2048, 64>}, {transform_indices = @transform_1, window_bounds = array<i64: 1024, 128>}]} {
    %get3A = arith.constant 0 : index
    %get3A_0 = arith.constant 0 : index
    %get3A_1 = vector.load %arg1[%get3A, %get3A_0] : memref<2048x64xf32, #tpu.memory_space<vmem>>, vector<1024x64xf32>
    %swap3A = arith.constant 0 : index
    %swap3A_2 = arith.constant 0 : index
    %swap3A_3 = vector.load %arg2[%swap3A, %swap3A_2] : memref<1024x128xf32, #tpu.memory_space<vmem>>, vector<1024x64xf32>
    tpu.vector_store %arg2[%swap3A, %swap3A_2], %get3A_1 {strides = array<i32>} : memref<1024x128xf32, #tpu.memory_space<vmem>>, vector<1024x64xf32>,
    %get3A_4 = arith.constant 1024 : index
    %get3A_5 = arith.constant 0 : index
    %get3A_6 = vector.load %arg1[%get3A_4, %get3A_5] : memref<2048x64xf32, #tpu.memory_space<vmem>>, vector<1024x64xf32>
    %swap3A_7 = arith.constant 0 : index
    %swap3A_8 = arith.constant 64 : index
    %swap3A_9 = vector.load %arg2[%swap3A_7, %swap3A_8] : memref<1024x128xf32, #tpu.memory_space<vmem>>, vector<1024x64xf32>
    tpu.vector_store %arg2[%swap3A_7, %swap3A_8], %get3A_6 {strides = array<i32>} : memref<1024x128xf32, #tpu.memory_space<vmem>>, vector<1024x64xf32>,
    return
  }
  func.func @transform_0(%arg0: i32) -> (i32, i32) {
    %c0_i32 = arith.constant 0 : i32
    %c0_i32_0 = arith.constant 0 : i32
    return %arg0, %c0_i32 : i32, i32
  }
  func.func @transform_1(%arg0: i32) -> (i32, i32) {
    %c0_i32 = arith.constant 0 : i32
    %c0_i32_0 = arith.constant 0 : i32
    return %arg0, %c0_i32 : i32, i32
  }
}

module attributes {stable_mosaic.version = 14 : i64} {
  func.func @body(%arg0: i32, %arg1: memref<2048x128xf32, #tpu.memory_space<vmem>>, %arg2: memref<128x64xf32, #tpu.memory_space<vmem>>, %arg3: memref<1x128xf32, #tpu.memory_space<vmem>>, %arg4: memref<2x2048x128xf32, #tpu.memory_space<vmem>>) attributes {dimension_semantics = [#tpu.dimension_semantics<arbitrary>], iteration_bounds = array<i64: 200>, scalar_prefetch = 0 : i64, scratch_operands = 0 : i64, tpu.core_type = #tpu.core_type<tc>, window_params = [{transform_indices = @transform_0, window_bounds = array<i64: 2048, 128>}, {pipeline_mode = #tpu.pipeline_mode<synchronous>, transform_indices = @transform_1, window_bounds = array<i64: 128, 64>}, {pipeline_mode = #tpu.pipeline_mode<synchronous>, transform_indices = @transform_2, window_bounds = array<i64: 1, 128>}, {transform_indices = @transform_3, window_bounds = array<i64: 2, 2048, 128>}]} {
    %get3A = arith.constant 0 : index
    %get3A_0 = arith.constant 0 : index
    %get3A_1 = vector.load %arg1[%get3A, %get3A_0] : memref<2048x128xf32, #tpu.memory_space<vmem>>, vector<2048x128xf32>
    %mul3A = arith.constant 5.000000e-01 : f32
    %mul3A_2 = vector.broadcast %mul3A : f32 to vector<2048x128xf32>
    %mul3A_3 = arith.mulf %mul3A_2, %get3A_1 : vector<2048x128xf32>
    %mul3A_4 = arith.constant 0.707106769 : f32
    %mul3A_5 = vector.broadcast %mul3A_4 : f32 to vector<2048x128xf32>
    %mul3A_6 = arith.mulf %get3A_1, %mul3A_5 : vector<2048x128xf32>
    %erf3A = math.erf %mul3A_6 : vector<2048x128xf32>
    %add3A = arith.constant 1.000000e+00 : f32
    %add3A_7 = vector.broadcast %add3A : f32 to vector<2048x128xf32>
    %add3A_8 = arith.addf %add3A_7, %erf3A : vector<2048x128xf32>
    %mul3A_9 = arith.mulf %mul3A_3, %add3A_8 : vector<2048x128xf32>
    %get3A_10 = arith.constant 0 : index
    %get3A_11 = arith.constant 0 : index
    %get3A_12 = vector.load %arg2[%get3A_10, %get3A_11] : memref<128x64xf32, #tpu.memory_space<vmem>>, vector<128x64xf32>
    %get3A_13 = arith.constant 0 : index
    %get3A_14 = arith.constant 0 : index
    %get3A_15 = vector.load %arg3[%get3A_13, %get3A_14] : memref<1x128xf32, #tpu.memory_space<vmem>>, vector<1x128xf32>
    %slice3A = vector.extract_strided_slice %mul3A_9 {offsets = [0, 0], sizes = [2048, 64], strides = [1, 1]} : vector<2048x128xf32> to vector<2048x64xf32>
    %dot_general3A = arith.constant dense<0.000000e+00> : vector<2048x128xf32>
    %dot_general3A_16 = tpu.matmul %slice3A, %get3A_12, %dot_general3A {dimension_numbers = #tpu.dot_dimension_numbers<[1], [1], [0], [0], [0, 0, 1, 0], [], []>, transpose_lhs_hint = false} : vector<2048x64xf32>, vector<128x64xf32>, vector<2048x128xf32> -> vector<2048x128xf32>
    %add3A_17 = vector.broadcast %get3A_15 : vector<1x128xf32> to vector<2048x128xf32>
    %add3A_18 = arith.addf %dot_general3A_16, %add3A_17 : vector<2048x128xf32>
    %swap3A = arith.constant 0 : index
    %swap3A_19 = arith.constant 0 : index
    %swap3A_20 = arith.constant 0 : index
    %swap3A_21 = vector.load %arg4[%swap3A, %swap3A_19, %swap3A_20] : memref<2x2048x128xf32, #tpu.memory_space<vmem>>, vector<1x2048x128xf32>
    %swap3A_22 = vector.shape_cast %swap3A_21 : vector<1x2048x128xf32> to vector<2048x128xf32>
    %swap3A_23 = vector.shape_cast %add3A_18 : vector<2048x128xf32> to vector<1x2048x128xf32>
    tpu.vector_store %arg4[%swap3A, %swap3A_19, %swap3A_20], %swap3A_23 {strides = array<i32>} : memref<2x2048x128xf32, #tpu.memory_space<vmem>>, vector<1x2048x128xf32>,
    %slice3A_24 = vector.extract_strided_slice %mul3A_9 {offsets = [0, 64], sizes = [2048, 64], strides = [1, 1]} : vector<2048x128xf32> to vector<2048x64xf32>
    %dot_general3A_25 = arith.constant dense<0.000000e+00> : vector<2048x128xf32>
    %dot_general3A_26 = tpu.matmul %slice3A_24, %get3A_12, %dot_general3A_25 {dimension_numbers = #tpu.dot_dimension_numbers<[1], [1], [0], [0], [0, 0, 1, 0], [], []>, transpose_lhs_hint = false} : vector<2048x64xf32>, vector<128x64xf32>, vector<2048x128xf32> -> vector<2048x128xf32>
    %add3A_27 = vector.broadcast %get3A_15 : vector<1x128xf32> to vector<2048x128xf32>
    %add3A_28 = arith.addf %dot_general3A_26, %add3A_27 : vector<2048x128xf32>
    %swap3A_29 = arith.constant 1 : index
    %swap3A_30 = arith.constant 0 : index
    %swap3A_31 = arith.constant 0 : index
    %swap3A_32 = vector.load %arg4[%swap3A_29, %swap3A_30, %swap3A_31] : memref<2x2048x128xf32, #tpu.memory_space<vmem>>, vector<1x2048x128xf32>
    %swap3A_33 = vector.shape_cast %swap3A_32 : vector<1x2048x128xf32> to vector<2048x128xf32>
    %swap3A_34 = vector.shape_cast %add3A_28 : vector<2048x128xf32> to vector<1x2048x128xf32>
    tpu.vector_store %arg4[%swap3A_29, %swap3A_30, %swap3A_31], %swap3A_34 {strides = array<i32>} : memref<2x2048x128xf32, #tpu.memory_space<vmem>>, vector<1x2048x128xf32>,
    return
  }
  func.func @transform_0(%arg0: i32) -> (i32, i32) {
    %c0_i32 = arith.constant 0 : i32
    %c0_i32_0 = arith.constant 0 : i32
    return %arg0, %c0_i32 : i32, i32
  }
  func.func @transform_1(%arg0: i32) -> (i32, i32) {
    %c0_i32 = arith.constant 0 : i32
    %c0_i32_0 = arith.constant 0 : i32
    %c0_i32_1 = arith.constant 0 : i32
    return %c0_i32, %c0_i32_0 : i32, i32
  }
  func.func @transform_2(%arg0: i32) -> (i32, i32) {
    %c0_i32 = arith.constant 0 : i32
    %c0_i32_0 = arith.constant 0 : i32
    %c0_i32_1 = arith.constant 0 : i32
    return %c0_i32, %c0_i32_0 : i32, i32
  }
  func.func @transform_3(%arg0: i32) -> (i32, i32, i32) {
    %c0_i32 = arith.constant 0 : i32
    %c0_i32_0 = arith.constant 0 : i32
    %c0_i32_1 = arith.constant 0 : i32
    return %c0_i32, %arg0, %c0_i32_0 : i32, i32, i32
  }
}

</mosaic_0001>

<sc_bundles>
// kernel: kernel.5.cloned.1.call-start
scs
__scs_entry_jumppad:
0x0: {  	(pc) =	sbr.rel $0x88, $3  }
0x1: {  	(tag) =	ssettag $0x0;
	lr =	simm.s32 $0x1  }
0x2: {  	[smem:$0x3F9D] =	sst lr;
	_ =	strace $0xD0000000  }
0x3: {  	_ = 	snop  }
0x4: {  	_ = 	snop  }
0x5: {  	_ = 	snop  }
0x6: {  	_ = 	snop  }
0x7: {  	_ = 	snop  }
__scs_overlays_trampoline_lowered:
0x8: {  	[smem:$0x3FAC] =	sst s0  }
0x9: {  	[smem:$0x3FAD] =	sst s1  }
0xa: {  	[smem:$0x3FAE] =	sst s2  }
0xb: {  	[smem:$0x3FAF] =	sst s3  }
0xc: {  	[smem:$0x3FB0] =	sst s4  }
0xd: {  	[smem:$0x3FB1] =	sst s5  }
0xe: {  	[smem:$0x3FB2] =	sst s6  }
0xf: {  	[smem:$0x3FB3] =	sst s7  }
0x10: {  	[smem:$0x3FB4] =	sst s8  }
0x11: {  	[smem:$0x3FB5] =	sst s9;
	s0 =	simm.s32 @!p0 $0x0  }
0x12: {  	s1 =	sld [smem:$0x3F9B];
	s0 =	simm.s32 @p0 $0x1  }
0x13: {  	[smem:$0x3FB6] =	sst s0;
	s0 =	simm.s32 @!p1 $0x0  }
0x14: {  	s2 =	sld [smem:$0x3F9A];
	s0 =	simm.s32 @p1 $0x1  }
0x15: {  	[smem:$0x3FB7] =	sst s0;
	s0 =	simm.s32 @!p2 $0x0  }
0x16: {  	s3 =	sld [smem:$0x3FDB];
	s0 =	simm.s32 @p2 $0x1  }
0x17: {  	s4 =	simm.s32 $0x1BF5;
	[smem:$0x3FB9] =	sst s0  }
0x18: {  	s0 =	sld [smem:$0x3F9C];
	_ =	swait.ge [sflag:s4], $0x0  }
0x19: {  	s7 =	sld [smem:$0x3F9D]  }
0x1a: {  	s8 =	sadd.s32 $0xFFFFE003, lr  }
0x1b: {  	s9 =	sadd.s32 $0xFFFFFEF7, lr;
	s5 =	simm.s32 $0xFFFFFFFF;
	p2 =	slt.u32 s8, $0xFFFFF086  }
0x1c: {  	p1 =	slt.u32 s9, $0xF7A;
	s5 =	simm.s32 @!p2 $0x0  }
0x1d: {  	s5 =	simm.s32 @p1 $0x1;
	p0 =	seq.s32 s7, s2  }
0x1e: {  	s7 =	smul.u32 @!p0 $0xF7A, s2;
	p2 =	seq.s32 @!p0 s5, $0x0  }
0x1f: {  	s9 =	smul.u32 $0xF7A, s1;
	s8 =	simm.s32 @!p0 $0x1BF5;
	p2 =	por !p2, p0  }
0x20: {  	[sflag:s8] =	ssyncset.s32 @!p0 $0xFFFFF086;
	s6 =	sadd.s32 @!p0 s3, s7;
	s7 =	simm.s32 @!p0 $0x108  }
0x21: {  	s3 =	sadd.s32 s3, s9;
	s6 =	sadd.s32 @!p0 $0x88, s6;
	s7 =	simm.s32 @p2 $0x1082  }
0x22: {  	[simem:s7], [sflag:s8] =	dma.local @!p0 [hbm:s6], $0xF7A  }
0x23: {  	s9 =	sor.u32 $0xD0000000, s2;
	s6 =	simm.s32 $0x108;
	_ =	swait.ge @!p0 [sflag:s8], $0x0  }
0x24: {  	s3 =	sadd.s32 $0x88, s3;
	s6 =	simm.s32 @!p1 $0x1082;
	[sflag:s4] =	ssyncset.s32 $0xFFFFF086  }
0x25: {  	[simem:s6], [sflag:s4] =	dma.local [hbm:s3], $0xF7A  }
0x26: {  	[smem:$0x3F9D] =	sst s1;
	(tag) =	ssettag s2;
	_ =	strace s9  }
0x27: {  	s1 =	sld [smem:$0x3FAD]  }
0x28: {  	s2 =	sld [smem:$0x3FAE]  }
0x29: {  	s4 =	sld [smem:$0x3FB0]  }
0x2a: {  	p0 =	seq.s32 s5, $0x0;
	s5 =	sld [smem:$0x3FB1]  }
0x2b: {  	s6 =	sld [smem:$0x3FB2]  }
0x2c: {  	s7 =	sld [smem:$0x3FB3]  }
0x2d: {  	s3 =	simm.s32 $0x108;
	s8 =	sld [smem:$0x3FB4]  }
0x2e: {  	s3 =	simm.s32 @!p0 $0x1082;
	s9 =	sld [smem:$0x3FB5]  }
0x2f: {  	lr =	sadd.s32 s0, s3;
	s0 =	sld [smem:$0x3FAC]  }
0x30: {  	s3 =	sld [smem:$0x3FAF]  }
0x31: {  	[smem:$0x3FB8] =	sst s10  }
0x32: {  	s10 =	sld [smem:$0x3FB6];
	_ =	sdelay $0x3  }
0x33: {  	p0 =	seq.s32 s10, $0x1;
	s10 =	sld [smem:$0x3FB8];
	_ =	sdelay $0x3  }
0x34: {  	[smem:$0x3FB8] =	sst s10  }
0x35: {  	s10 =	sld [smem:$0x3FB7];
	_ =	sdelay $0x3  }
0x36: {  	p1 =	seq.s32 s10, $0x1;
	s10 =	sld [smem:$0x3FB8];
	_ =	sdelay $0x3  }
0x37: {  	[smem:$0x3FB8] =	sst s10  }
0x38: {  	s10 =	sld [smem:$0x3FB9]  }
0x39: {  	_ = 	snop;
	(pc) =	sbr.ind lr, $3  }
0x3a: {  	_ = 	snop  }
0x3b: {  	_ = 	snop  }
0x3c: {  	p2 =	seq.s32 s10, $0x1;
	s10 =	sld [smem:$0x3FB8]  }
0x3d: {  	_ =	shalt  }
0x3e: {  	_ =	shalt  }
0x3f: {  	_ =	shalt  }
0x40: {  	_ =	shalt  }
0x41: {  	_ =	shalt  }
0x42: {  	_ =	shalt  }
0x43: {  	_ =	shalt  }
0x44: {  	_ =	shalt  }
0x45: {  	_ =	shalt  }
0x46: {  	_ =	shalt  }
0x47: {  	_ =	shalt  }
0x48: {  	_ =	shalt  }
0x49: {  	_ =	shalt  }
0x4a: {  	_ =	shalt  }
0x4b: {  	_ =	shalt  }
0x4c: {  	_ =	shalt  }
0x4d: {  	_ =	shalt  }
0x4e: {  	_ =	shalt  }
0x4f: {  	_ =	shalt  }
0x50: {  	_ =	shalt  }
0x51: {  	_ =	shalt  }
0x52: {  	_ =	shalt  }
0x53: {  	_ =	shalt  }
0x54: {  	_ =	shalt  }
0x55: {  	_ =	shalt  }
0x56: {  	_ =	shalt  }
0x57: {  	_ =	shalt  }
0x58: {  	_ =	shalt  }
0x59: {  	_ =	shalt  }
0x5a: {  	_ =	shalt  }
0x5b: {  	_ =	shalt  }
0x5c: {  	_ =	shalt  }
0x5d: {  	_ =	shalt  }
0x5e: {  	_ =	shalt  }
0x5f: {  	_ =	shalt  }
0x60: {  	_ =	shalt  }
0x61: {  	_ =	shalt  }
0x62: {  	_ =	shalt  }
0x63: {  	_ =	shalt  }
0x64: {  	_ =	shalt  }
0x65: {  	_ =	shalt  }
0x66: {  	_ =	shalt  }
0x67: {  	_ =	shalt  }
0x68: {  	_ =	shalt  }
0x69: {  	_ =	shalt  }
0x6a: {  	_ =	shalt  }
0x6b: {  	_ =	shalt  }
0x6c: {  	_ =	shalt  }
0x6d: {  	_ =	shalt  }
0x6e: {  	_ =	shalt  }
0x6f: {  	_ =	shalt  }
0x70: {  	_ =	shalt  }
0x71: {  	_ =	shalt  }
0x72: {  	_ =	shalt  }
0x73: {  	_ =	shalt  }
0x74: {  	_ =	shalt  }
0x75: {  	_ =	shalt  }
0x76: {  	_ =	shalt  }
0x77: {  	_ =	shalt  }
0x78: {  	_ =	shalt  }
0x79: {  	_ =	shalt  }
0x7a: {  	_ =	shalt  }
0x7b: {  	_ =	shalt  }
0x7c: {  	_ =	shalt  }
0x7d: {  	_ =	shalt  }
0x7e: {  	_ =	shalt  }
0x7f: {  	_ =	shalt  }
0x80: {  	_ =	shalt  }
0x81: {  	_ =	shalt  }
0x82: {  	_ =	shalt  }
0x83: {  	_ =	shalt  }
0x84: {  	_ =	shalt  }
0x85: {  	_ =	shalt  }
0x86: {  	_ =	shalt  }
0x87: {  	_ =	shalt  }
.Lfunc_end0:
.L_simem_size_0:
called_computation_lowered:
.L_overlay_start_0:
0x88: {  	s2 =	sld [smem:$0x3FD9]  }
0x89: {  	s3 =	sld [smem:$0x3FFE];
	_ =	sdelay $0x1  }
0x8a: {  	s1 =	srdreg.scid  }
0x8b: {  	s0 =	sand.u32 $0x1, s1  }
0x8c: {  	s17 =	sshll.u32 s0, $0xA;
	s2 =	sadd.s32 s3, s2  }
0x8d: {  	s2 =	sadd.s32 s2, s17  }
0x8e: {  	[smem:$0x3FC4] =	sst s2  }
0x8f: {  	_ = 	snop  }
0x90: {  	s2 =	sld [smem:$0x3FD0];
	(tm) =	ssettm $0x1  }
0x91: {  	s18 =	sld [smem:$0x3FFB];
	_ =	sdelay $0x3  }
0x92: {  	_ =	strace s18  }
0x93: {  	s3 =	sld [smem:$0x3FFC];
	_ =	sdelay $0x3  }
0x94: {  	_ =	strace s3  }
0x95: {  	s3 =	sld [smem:$0x3FFD];
	_ =	sdelay $0x3  }
0x96: {  	_ =	strace s3  }
0x97: {  	_ =	strace $0x8FFFFFFF  }
0x98: {  	s19 =	sld [smem:$0x3FDB];
	_ =	sdelay $0x1  }
0x99: {  	s4 =	simm.s32 $_scs_section_size  }
0x9a: {  	s5 =	simm.s32 $_size__tile_overlayer_lowered;
	s6 =	simm.s32 $_tile_overlayer_lowered  }
0x9b: {  	s22 =	simm.s32 $0x1BFF;
	s21 =	sshll.u32 s6, $0x1;
	s3 =	sadd.s32 s4, s19  }
0x9c: {  	s7 =	simm.s32 $0x0;
	s20 =	sshll.u32 s5, $0x1;
	s5 =	sadd.s32 s21, s3  }
0x9d: {  	[timem:s7], [sflag:s22] =	dma.local [hbm:s5], s20  }
0x9e: {  	_ =	swait.ge [sflag:s22], s20  }
0x9f: {  	s4 =	ssub.s32 $0x0, s20;
	[sflag:s22] =	ssyncset.done $0x0  }
0xa0: {  	[sflag:s22] =	ssyncadd.s32 s4;
	_ =	sdelay $0x1  }
0xa1: {  	s23 =	simm.s32 $0x1B8B  }
0xa2: {  	_ =	swait.ge [sflag:s23], $0x1  }
0xa3: {  	[sflag:s23] =	ssyncset.done $0x0  }
0xa4: {  	s25 =	simm.s32 $0x1B8E;
	s24 =	sld [smem:$0x3FFE];
	[sflag:s23] =	ssyncadd.s32 $0xFFFFFFFF  }
0xa5: {  	s26 =	simm.s32 $execute0_lowered;
	[smem:$0x3FD2] =	sst s25  }
0xa6: {  	s5 =	sshll.u32 s26, $0x1;
	_ =	strace $0x80000046;
	[dreg:$0x1] =	wrdreg $0xFFFFFFFF  }
0xa7: {  	s28 =	simm.s32 $_size_execute0_lowered;
	s3 =	sadd.s32 s3, s5;
	[dreg:$0x0] =	wrdreg $0x0  }
0xa8: {  	s5 =	sshll.u32 s28, $0x1;
	[dreg:$0x2] =	wrdreg s3  }
0xa9: {  	[dreg:$0x3] =	wrdreg s5  }
0xaa: {  	[dreg:$0x4] =	wrdreg $0xC0  }
0xab: {  	_ =	task [dreg:s7], $0x5FFFF  }
0xac: {  	[dreg:$0x1] =	wrdreg $0xFFFFFFFF  }
0xad: {  	[dreg:$0x0] =	wrdreg $0x60  }
0xae: {  	[dreg:$0x2] =	wrdreg s2  }
0xaf: {  	[dreg:$0x3] =	wrdreg s24  }
0xb0: {  	[dreg:$0x4] =	wrdreg $0x9  }
0xb1: {  	_ =	task.clear_ibuf [dreg:s7], $0x5FFFF;
	_ =	strace $0x90000046  }
0xb2: {  	s29 =	simm.s32 $0x9;
	_ =	strace $0x80000048  }
0xb3: {  	_ =	swait.ge [sflag:s29], $0x1  }
0xb4: {  	[sflag:s29] =	ssyncadd.s32 $0xFFFFFFFF  }
0xb5: {  	_ =	strace $0x90000048  }
0xb6: {  	_ =	sfence  }
0xb7: {  	s30 =	sld [smem:$0x0];
	_ =	sdelay $0x2  }
0xb8: {  	s31 =	sshll.u32 s1, $0xD;
	s1 =	sshrl.u32 s1, $0x2  }
0xb9: {  	s3 =	sand.u32 $0x4000, s31;
	s1 =	sadd.s32 s1, s30  }
0xba: {  	s0 =	sor.u32 s3, s0;
	s1 =	sshll.u32 s1, $0x11  }
0xbb: {  	s0 =	sor.u32 s1, s0  }
0xbc: {  	s0 =	sadd.s32 $0x8F2B, s0  }
0xbd: {  	[sflag:s0] =	ssyncadd.remote.s32 $0x1  }
0xbe: {  	_ =	sfence.sel $0xFFFF  }
0xbf: {  	[dreg:$0x0] =	wrdreg $0xFFFFFFFF;
	(pc) =	sbr.abs _section_cstart, $3  }
0xc0: {  	[dreg:$0x1] =	wrdreg $0xFFFFFFFF  }
0xc1: {  	_ =	task.clear_ibuf [dreg:s7], $0x2FFFF;
	_ =	strace $0x9FFFFFFF  }
0xc2: {  	(tm) =	ssettm $0x7FFFFFFF  }
0xc3: {  	_ =	shalt  }
tec
execute0_lowered:
.L_overlay_start_1:
0x0: {  	(tag) =	ssettag $0x1  }
0x1: {  	s1 =	srdreg.scid;
	s2 =	rddreg [dreg:$0x0]  }
0x2: {  	s0 =	stileid.u32;
	s7 =	rddreg [dreg:$0x1];
	s3 =	simm.s32 $0x0  }
0x3: {  	s13 =	simm.s32 $0x1;
	s14 =	simm.s32 $0x40;
	s15 =	simm.s32 $0x80  }
0x4: {  	s16 =	simm.s32 $0x2;
	s17 =	simm.s32 $0x3;
	s18 =	simm.s32 $0x4  }
0x5: {  	s5 =	sand.u32 $0x1, s1;
	s4 =	smul.u32 $0xC800, s0;
	s1 =	rddreg [dreg:$0x2]  }
0x6: {  	s19 =	simm.s32 $0x0;
	[smem:$0x7FF] =	sst s3;
	s9 =	smul.u32 $0x640000, s0  }
0x7: {  	s11 =	sshrl.u32 s0, $0x3;
	s6 =	smul.u32 $0x6400, s5;
	_ =	strace $0x80000047  }
0x8: {  	s29 =	ssub.s32 $0x2, s5;
	s12 =	smul.u32 $0x320000, s5;
	s5 =	sadd.s32 $0x1BA00, s7  }
0x9: {  	s30 =	smul.u32 $0x31FFFC0, s11;
	s11 =	simm.s32 $0x400;
	s10 =	sshrl.u32 s29, $0x1  }
0xa: {  	s4 =	sadd.s32 s6, s4;
	s6 =	ssub.s32 s29, s10;
	s31 =	sadd.s32 s12, s9  }
0xb: {  	s9 =	simm.s32 $0x5;
	s10 =	simm.s32 $0x200;
	s4 =	sshrl.u32 s4, $0x3  }
0xc: {  	s12 =	simm.s32 $0x8400;
	s6 =	smax.u32 s6, $0x1;
	s8 =	sadd.s32 s4, s7  }
0xd: {  	s4 =	sadd.s32 $0x19A00, s7;
	s7 =	sadd.s32 $0xA40, s8;
	s8 =	ssub.s32 s31, s30  }
.LBB2_1:
0xe: {  	s20 =	sadd.s32 $0xFFFFFFC0, s7  }
0xf: {  	[tilespmem:s3], [sflag:$0x5] =	stream.linear.gather [hbm4b:s20+s3], $0x200, $0x38;
	[tilespmem:$0x10400] =	vst v63  }
0x10: {  	_ =	swait.ge [sflag:s9], $0x200  }
0x11: {  	[sflag:s9] =	ssyncset.done $0x0  }
0x12: {  	[sflag:s9] =	ssyncadd.s32 $0xFFFFFE00  }
0x13: {  	[tilespmem:s11], [sflag:$0x1] =	stream.indirect.gather [hbm4b:s2+s10], $0x40, s3, s10, $0xb8;
	[tilespmem:$0x10400] =	vst v63  }
0x14: {  	_ = 	snop  }
0x15: {  	[tilespmem:s10], [sflag:$0x5] =	stream.linear.gather [hbm4b:s7+s3], $0x200, $0x38;
	[tilespmem:$0x10400] =	vst v63  }
0x16: {  	_ =	swait.ge [sflag:s9], $0x200  }
0x17: {  	[sflag:s9] =	ssyncset.done $0x0  }
0x18: {  	[sflag:s9] =	ssyncadd.s32 $0xFFFFFE00  }
0x19: {  	[tilespmem:s12], [sflag:$0x2] =	stream.indirect.gather [hbm4b:s2+s10], $0x40, s10, s10, $0xb8;
	[tilespmem:$0x10400] =	vst v63  }
0x1a: {  	s31 =	sadd.s32 $0x0, s8;
	_ =	swait.ge [sflag:s13], $0x8000  }
0x1b: {  	s20 =	sshrl.u32 s31, $0x3;
	[sflag:s13] =	ssyncset.done $0x0  }
0x1c: {  	s21 =	sadd.s32 s4, s20;
	[sflag:s13] =	ssyncadd.s32 $0xFFFF8000  }
0x1d: {  	[hbm4b:s21+s14] =	stream.strided.scatter [tilespmem:s11], [sflag:$0x3], $0x8000, s15, s14, $0x38;
	[tilespmem:$0x10400] =	vst v63  }
0x1e: {  	_ =	swait.ge [sflag:s16], $0x8000  }
0x1f: {  	[sflag:s16] =	ssyncset.done $0x0  }
0x20: {  	s20 =	sadd.s32 s20, s5;
	[sflag:s16] =	ssyncadd.s32 $0xFFFF8000  }
0x21: {  	[hbm4b:s20+s14] =	stream.strided.scatter [tilespmem:s12], [sflag:$0x4], $0x8000, s15, s14, $0x38;
	[tilespmem:$0x10400] =	vst v63  }
0x22: {  	_ =	swait.ge [sflag:s17], $0x8000  }
0x23: {  	[sflag:s17] =	ssyncset.done $0x0  }
0x24: {  	[sflag:s17] =	ssyncadd.s32 $0xFFFF8000  }
0x25: {  	s22 =	simm.s32 $0x40000;
	_ =	swait.ge [sflag:s18], $0x8000  }
0x26: {  	s21 =	sadd.s32 $0x80, s7;
	s20 =	simm.s32 $0x20000;
	[sflag:s18] =	ssyncset.done $0x0  }
.LBB2_2:
0x27: {  	p0 =	sne.s32 s22, $0x300000;
	s23 =	sadd.s32 $0xFFFFFFC0, s21;
	[sflag:s18] =	ssyncadd.s32 $0xFFFF8000  }
0x28: {  	[tilespmem:s3], [sflag:$0x5] =	stream.linear.gather [hbm4b:s23+s3], $0x200, $0x38;
	[tilespmem:$0x10400] =	vst v63  }
0x29: {  	s23 =	smov.u32 s22;
	s22 =	sadd.s32 $0x20000, s22;
	_ =	swait.ge [sflag:s9], $0x200  }
0x2a: {  	[sflag:s9] =	ssyncset.done $0x0  }
0x2b: {  	[sflag:s9] =	ssyncadd.s32 $0xFFFFFE00  }
0x2c: {  	[tilespmem:s11], [sflag:$0x1] =	stream.indirect.gather [hbm4b:s2+s10], $0x40, s3, s10, $0xb8;
	[tilespmem:$0x10400] =	vst v63  }
0x2d: {  	_ = 	snop  }
0x2e: {  	[tilespmem:s10], [sflag:$0x5] =	stream.linear.gather [hbm4b:s21+s3], $0x200, $0x38;
	[tilespmem:$0x10400] =	vst v63  }
0x2f: {  	_ =	swait.ge [sflag:s9], $0x200  }
0x30: {  	[sflag:s9] =	ssyncset.done $0x0  }
0x31: {  	[sflag:s9] =	ssyncadd.s32 $0xFFFFFE00  }
0x32: {  	[tilespmem:s12], [sflag:$0x2] =	stream.indirect.gather [hbm4b:s2+s10], $0x40, s10, s10, $0xb8;
	[tilespmem:$0x10400] =	vst v63  }
0x33: {  	s24 =	sadd.s32 s20, s8;
	s20 =	smov.u32 s23;
	_ =	swait.ge [sflag:s13], $0x8000  }
0x34: {  	s23 =	sshrl.u32 s24, $0x3;
	[sflag:s13] =	ssyncset.done $0x0  }
0x35: {  	s24 =	sadd.s32 s4, s23;
	[sflag:s13] =	ssyncadd.s32 $0xFFFF8000  }
0x36: {  	[hbm4b:s24+s14] =	stream.strided.scatter [tilespmem:s11], [sflag:$0x3], $0x8000, s15, s14, $0x38;
	[tilespmem:$0x10400] =	vst v63  }
0x37: {  	_ =	swait.ge [sflag:s16], $0x8000  }
0x38: {  	[sflag:s16] =	ssyncset.done $0x0  }
0x39: {  	s23 =	sadd.s32 s23, s5;
	[sflag:s16] =	ssyncadd.s32 $0xFFFF8000  }
0x3a: {  	[hbm4b:s23+s14] =	stream.strided.scatter [tilespmem:s12], [sflag:$0x4], $0x8000, s15, s14, $0x38;
	[tilespmem:$0x10400] =	vst v63  }
.Ltmp0:
0x3b: {  	_ =	swait.ge [sflag:s17], $0x8000;
	(pc) =	sbr.rel @p0 .LBB2_2-.Ltmp0, $4  }
0x3c: {  	[sflag:s17] =	ssyncset.done $0x0  }
0x3d: {  	[sflag:s17] =	ssyncadd.s32 $0xFFFF8000  }
0x3e: {  	_ =	swait.ge [sflag:s18], $0x8000  }
0x3f: {  	s21 =	sadd.s32 $0x80, s21;
	[sflag:s18] =	ssyncset.done $0x0  }
0x40: {  	s22 =	sadd.s32 $0xFFFFFFC0, s21;
	[sflag:s18] =	ssyncadd.s32 $0xFFFF8000  }
0x41: {  	[tilespmem:s3], [sflag:$0x5] =	stream.linear.gather [hbm4b:s22+s3], $0x200, $0x38;
	[tilespmem:$0x10400] =	vst v63  }
0x42: {  	_ =	swait.ge [sflag:s9], $0x200  }
0x43: {  	[sflag:s9] =	ssyncset.done $0x0  }
0x44: {  	[sflag:s9] =	ssyncadd.s32 $0xFFFFFE00  }
0x45: {  	[tilespmem:s11], [sflag:$0x1] =	stream.indirect.gather [hbm4b:s2+s10], $0x40, s3, s10, $0xb8;
	[tilespmem:$0x10400] =	vst v63  }
0x46: {  	_ = 	snop  }
0x47: {  	[tilespmem:s10], [sflag:$0x5] =	stream.linear.gather [hbm4b:s21+s3], $0x200, $0x38;
	[tilespmem:$0x10400] =	vst v63  }
0x48: {  	_ =	swait.ge [sflag:s9], $0x200  }
0x49: {  	[sflag:s9] =	ssyncset.done $0x0  }
0x4a: {  	[sflag:s9] =	ssyncadd.s32 $0xFFFFFE00  }
0x4b: {  	[tilespmem:s12], [sflag:$0x2] =	stream.indirect.gather [hbm4b:s2+s10], $0x40, s10, s10, $0xb8;
	[tilespmem:$0x10400] =	vst v63  }
0x4c: {  	s20 =	sadd.s32 s20, s8;
	_ =	swait.ge [sflag:s13], $0x8000  }
0x4d: {  	s20 =	sshrl.u32 s20, $0x3;
	[sflag:s13] =	ssyncset.done $0x0  }
0x4e: {  	s31 =	sadd.s32 s4, s20;
	[sflag:s13] =	ssyncadd.s32 $0xFFFF8000  }
0x4f: {  	[hbm4b:s31+s14] =	stream.strided.scatter [tilespmem:s11], [sflag:$0x3], $0x8000, s15, s14, $0x38;
	[tilespmem:$0x10400] =	vst v63  }
0x50: {  	_ =	swait.ge [sflag:s16], $0x8000  }
0x51: {  	[sflag:s16] =	ssyncset.done $0x0  }
0x52: {  	s19 =	sadd.s32 $0x1, s19;
	s20 =	sadd.s32 s20, s5;
	[sflag:s16] =	ssyncadd.s32 $0xFFFF8000  }
0x53: {  	[hbm4b:s20+s14] =	stream.strided.scatter [tilespmem:s12], [sflag:$0x4], $0x8000, s15, s14, $0x38;
	[tilespmem:$0x10400] =	vst v63  }
0x54: {  	p0 =	sne.s32 s19, s6;
	_ =	swait.ge [sflag:s17], $0x8000  }
.Ltmp1:
0x55: {  	[sflag:s17] =	ssyncset.done $0x0;
	(pc) =	sbr.rel @p0 .LBB2_1-.Ltmp1, $4  }
0x56: {  	[sflag:s17] =	ssyncadd.s32 $0xFFFF8000  }
0x57: {  	_ =	swait.ge [sflag:s18], $0x8000  }
0x58: {  	[sflag:s18] =	ssyncset.done $0x0  }
0x59: {  	[sflag:s18] =	ssyncadd.s32 $0xFFFF8000  }
0x5a: {  	_ =	sfence.sel $0x180000  }
0x5b: {  	[bflag:$0x0] =	sbarrier.arrive $0xFFFF  }
0x5c: {  	p0 =	sne.s32 s0, $0x0;
	_ =	strace $0x90000047  }
0x5d: {  	s0 =	sadd.s32 @!p0 $0x100000, s1;
	[bflag:$0x2] =	sbarrier.arrive $0xFFFF  }
0x5e: {  	[sflag:s0] =	ssyncadd.tile.s32 @!p0 $0x1;
	_ =	shalt  }
.Lfunc_end2:
_tile_overlayer_lowered:
.L_overlay_start_2:
0x5f: {  	(tag) =	ssettag $0x2  }
0x60: {  	s0 =	rddreg [dreg:$0x0];
	s2 =	stileid.u32  }
0x61: {  	s1 =	rddreg [dreg:$0x1];
	p0 =	sne.s32 s2, $0x0  }
0x62: {  	s3 =	rddreg [dreg:$0x2];
	[bflag:$0x3] =	sbarrier.arrive $0xFFFF;
	s2 =	simm.s32 @!p0 $0x1C05  }
0x63: {  	[timem:s3], [sflag:s2] =	dma.local @!p0 [hbm:s0], s1  }
0x64: {  	s0 =	simm.s32 @!p0 $0x5  }
0x65: {  	_ =	swait.ge @!p0 [sflag:s0], s1  }
0x66: {  	s1 =	ssub.s32 @!p0 $0x0, s1;
	[sflag:s0] =	ssyncset.done @!p0 $0x0  }
0x67: {  	[sflag:s0] =	ssyncadd.s32 @!p0 s1  }
0x68: {  	[bflag:$0x3] =	sbarrier.arrive $0xFFFF  }
0x69: {  	_ =	shalt  }

</sc_bundles>
